<compile_context>
chip_gen: v7x
topology: tpu7x:2x2x1
jax: 0.10.2.dev20260603
libtpu: 0.0.44.dev20260713+nightly
codegen_flags: <defaults>
</compile_context>

<pallas_src>
import functools

import jax
import jax.numpy as jnp
from jax import lax
from jax.experimental import pallas as pl
from jax.experimental.pallas import tpu as pltpu
from jax.experimental.pallas import tpu_sc as plsc

_NC = 2
_NS = 16
_NW = _NC * _NS
_L = 16

_KS = (0, 1, 0 ^ 1 ^ 0x1BD11BDA)
_ROTS = ((13, 15, 26, 6), (17, 29, 16, 24))


def _rotl(x, d):
    return (x << jnp.uint32(d)) | (x >> jnp.uint32(32 - d))


def _threefry_bits(x1):
    x0 = jnp.zeros((_L,), jnp.uint32)
    for r in range(5):
        for d in _ROTS[r % 2]:
            x0 = x0 + x1
            x1 = _rotl(x1, d)
            x1 = x0 ^ x1
        x0 = x0 + jnp.uint32(_KS[(r + 1) % 3] & 0xFFFFFFFF)
        x1 = x1 + jnp.uint32((_KS[(r + 2) % 3] + r + 1) & 0xFFFFFFFF)
    return x0 ^ x1


def _make_sc_call(batch):
    rows_per_tile = batch // _NW
    steps = rows_per_tile // _L
    mesh = plsc.VectorSubcoreMesh(core_axis_name="c", subcore_axis_name="s")

    @functools.partial(
        pl.kernel,
        mesh=mesh,
        out_type=jax.ShapeDtypeStruct((2, batch), jnp.float32),
        compiler_params=pltpu.CompilerParams(needs_layout_passes=False),
        scratch_types=[
            pltpu.VMEM((_L,), jnp.float32),
            pltpu.VMEM((rows_per_tile,), jnp.float32),
            pltpu.VMEM((rows_per_tile,), jnp.float32),
        ],
    )
    def sc_call(w_hbm, out_hbm, w_v, out_a, out_b):
        wid = lax.axis_index("s") * _NC + lax.axis_index("c")
        base = wid * rows_per_tile

        pltpu.sync_copy(w_hbm, w_v)
        lane = lax.iota(jnp.int32, _L)
        zero_f = jnp.zeros((_L,), jnp.float32)
        wv = w_v[...]
        w00 = zero_f + wv[0]
        w01 = zero_f + wv[1]
        w10 = zero_f + wv[2]
        w11 = zero_f + wv[3]

        lane_u = lane.astype(jnp.uint32)
        base_u = (base + 1).astype(jnp.uint32)

        def step(s, carry):
            bits = _threefry_bits(lane_u + (base_u + s.astype(jnp.uint32) * _L))
            pick1 = (bits >> jnp.uint32(31)) == jnp.uint32(0)
            off = pl.ds(s * _L, _L)
            out_a[off] = jnp.where(pick1, w01, w00)
            out_b[off] = jnp.where(pick1, w11, w10)
            return carry

        lax.fori_loop(0, steps, step, 0)

        pltpu.sync_copy(out_a, out_hbm.at[0, pl.ds(base, rows_per_tile)])
        pltpu.sync_copy(out_b, out_hbm.at[1, pl.ds(base, rows_per_tile)])

    return sc_call


def kernel(input_ids, attention_mask, W):
    batch = input_ids.shape[0]
    w_flat = jnp.concatenate([W.reshape(4), jnp.zeros((12,), jnp.float32)])
    planes = _make_sc_call(batch)(w_flat)
    return planes.T

# --- scband reference (transcript-rebuilt; emitter-appended) ---
"""Pipeline reference for scband-random-classifier-87265145520372 (READ-ONLY COPY).

The authoritative reference and input builder live on the scoring server;
editing this copy changes nothing except your own understanding.
"""

import jax, jax.numpy as jnp
import numpy as np


def setup_inputs(seed: int = 0) -> dict:
    key = jax.random.key(seed)
    k1, k2 = jax.random.split(key)
    input_ids = jax.random.randint(k1, (16384, 200), 0, 100000, dtype=jnp.int64)
    attention_mask = jnp.ones((16384, 200), dtype=jnp.int64)
    # fc1: nn.Linear(2, 2, bias=False) -> weight shape [2, 2]
    W = jax.random.normal(k2, (2, 2), dtype=jnp.float32) * (1.0 / np.sqrt(2.0))
    return {"input_ids": input_ids, "attention_mask": attention_mask, "W": W}


def reference(input_ids, attention_mask, W):
    batch_size = input_ids.shape[0]
    # torch.rand(1, batch_size) < 0.5 -> long  (fixed key for determinism)
    rkey = jax.random.key(1)
    random_predictions = (jax.random.uniform(rkey, (1, batch_size)) < 0.5).astype(jnp.int32)
    # one_hot scatter-overwrite: zeros[B,2].at[arange(B), preds].set(1)
    one_hot_tensor = jnp.zeros((batch_size, 2), dtype=jnp.float32)
    one_hot_tensor = one_hot_tensor.at[jnp.arange(batch_size), random_predictions[0]].set(1.0)
    # nn.Linear: x @ W.T (no bias)
    x = one_hot_tensor @ W.T
    return x

if __name__ == "__main__":
    import jax
    _d = setup_inputs()
    print(jax.jit(kernel)(*tuple(_d.values())))

</pallas_src>

<mosaic_0001>
#map = affine_map<(d0, d1) -> (0)>
#map1 = affine_map<(d0, d1) -> (0, 0)>
module attributes {stable_mosaic.version = 14 : i64} {
  func.func @sc_call(%arg0: i32, %arg1: i32, %arg2: memref<16xf32, #tpu.memory_space<hbm>>, %arg3: memref<2x16384xf32, #tpu.memory_space<hbm>>, %arg4: memref<16xf32, #tpu.memory_space<vmem>>, %arg5: memref<512xf32, #tpu.memory_space<vmem>>, %arg6: memref<512xf32, #tpu.memory_space<vmem>>) attributes {dimension_semantics = [#tpu.dimension_semantics<core_parallel>, #tpu.dimension_semantics<subcore_parallel>], iteration_bounds = array<i64: 2, 16>, scalar_prefetch = 0 : i64, scratch_operands = 3 : i64, tpu.core_type = #tpu.core_type<sc_vector_subcore>, window_params = [{transform_indices = #map}, {transform_indices = #map1}]} {
    %mul3A = arith.constant 2 : i32
    %mul3A_0 = arith.muli %arg1, %mul3A : i32
    %add3A = arith.addi %mul3A_0, %arg0 : i32
    %mul3A_1 = arith.constant 512 : i32
    %mul3A_2 = arith.muli %add3A, %mul3A_1 : i32
    "tpu.region"() ({
      %run_scoped3A_27 = tpu.sem_alloc : memref<!tpu.dma_semaphore, #tpu.memory_space<semaphore_mem>>
      tpu.enqueue_dma source(%arg2 : memref<16xf32, #tpu.memory_space<hbm>>) target(%arg4 : memref<16xf32, #tpu.memory_space<vmem>>) target_semaphore(%run_scoped3A_27 : memref<!tpu.dma_semaphore, #tpu.memory_space<semaphore_mem>>)
      tpu.wait_dma2 semaphore(%run_scoped3A_27 : memref<!tpu.dma_semaphore, #tpu.memory_space<semaphore_mem>>) src(%arg2 : memref<16xf32, #tpu.memory_space<hbm>>) dst(%arg4 : memref<16xf32, #tpu.memory_space<vmem>>)
      tpu.yield
    }) : () -> ()
    %iota3A = tpu.iota {dimensions = array<i32: 0>} : vector<16xi32>
    %broadcast_in_dim3A = arith.constant 0.000000e+00 : f32
    %broadcast_in_dim3A_3 = vector.broadcast %broadcast_in_dim3A : f32 to vector<16xf32>
    %get3A = arith.constant 0 : index
    %get3A_4 = tpu.vector_load %arg4[%get3A] {strides = array<i32>} : memref<16xf32, #tpu.memory_space<vmem>>, vector<16xf32>,
    %slice3A = vector.extract_strided_slice %get3A_4 {offsets = [0], sizes = [1], strides = [1]} : vector<16xf32> to vector<1xf32>
    %squeeze3A = vector.extract %slice3A[0] : f32 from vector<1xf32>
    %add3A_5 = vector.broadcast %squeeze3A : f32 to vector<16xf32>
    %add3A_6 = arith.addf %broadcast_in_dim3A_3, %add3A_5 : vector<16xf32>
    %slice3A_7 = vector.extract_strided_slice %get3A_4 {offsets = [1], sizes = [1], strides = [1]} : vector<16xf32> to vector<1xf32>
    %squeeze3A_8 = vector.extract %slice3A_7[0] : f32 from vector<1xf32>
    %add3A_9 = vector.broadcast %squeeze3A_8 : f32 to vector<16xf32>
    %add3A_10 = arith.addf %broadcast_in_dim3A_3, %add3A_9 : vector<16xf32>
    %slice3A_11 = vector.extract_strided_slice %get3A_4 {offsets = [2], sizes = [1], strides = [1]} : vector<16xf32> to vector<1xf32>
    %squeeze3A_12 = vector.extract %slice3A_11[0] : f32 from vector<1xf32>
    %add3A_13 = vector.broadcast %squeeze3A_12 : f32 to vector<16xf32>
    %add3A_14 = arith.addf %broadcast_in_dim3A_3, %add3A_13 : vector<16xf32>
    %slice3A_15 = vector.extract_strided_slice %get3A_4 {offsets = [3], sizes = [1], strides = [1]} : vector<16xf32> to vector<1xf32>
    %squeeze3A_16 = vector.extract %slice3A_15[0] : f32 from vector<1xf32>
    %add3A_17 = vector.broadcast %squeeze3A_16 : f32 to vector<16xf32>
    %add3A_18 = arith.addf %broadcast_in_dim3A_3, %add3A_17 : vector<16xf32>
    %add3A_19 = arith.constant 1 : i32
    %add3A_20 = arith.addi %mul3A_2, %add3A_19 : i32
    %scan3A = arith.constant 0 : i32
    %scan3A_21 = arith.constant 0 : i32
    %scan3A_22 = arith.constant 32 : i32
    %scan3A_23 = arith.addi %scan3A_21, %scan3A_22 : i32
    %scan3A_24 = arith.constant 1 : i32
    scf.for %scan3A_27 = %scan3A_21 to %scan3A_23 step %scan3A_24  : i32 {
      %mul3A_28 = arith.constant 16 : i32
      %mul3A_29 = arith.muli %scan3A_27, %mul3A_28 : i32
      %add3A_30 = arith.addi %add3A_20, %mul3A_29 : i32
      %add3A_31 = vector.broadcast %add3A_30 : i32 to vector<16xi32>
      %add3A_32 = arith.addi %iota3A, %add3A_31 : vector<16xi32>
      %broadcast_in_dim3A_33 = arith.constant 0 : i32
      %broadcast_in_dim3A_34 = vector.broadcast %broadcast_in_dim3A_33 : i32 to vector<16xi32>
      %add3A_35 = arith.addi %broadcast_in_dim3A_34, %add3A_32 : vector<16xi32>
      %shift_left3A = arith.constant 13 : i32
      %shift_left3A_36 = vector.broadcast %shift_left3A : i32 to vector<16xi32>
      %shift_left3A_37 = arith.shli %add3A_32, %shift_left3A_36 : vector<16xi32>
      %shift_right_logical3A = arith.constant 19 : i32
      %shift_right_logical3A_38 = vector.broadcast %shift_right_logical3A : i32 to vector<16xi32>
      %shift_right_logical3A_39 = arith.shrui %add3A_32, %shift_right_logical3A_38 : vector<16xi32>
      %or3A = arith.ori %shift_left3A_37, %shift_right_logical3A_39 : vector<16xi32>
      %xor3A = arith.xori %add3A_35, %or3A : vector<16xi32>
      %add3A_40 = arith.addi %add3A_35, %xor3A : vector<16xi32>
      %shift_left3A_41 = arith.constant 15 : i32
      %shift_left3A_42 = vector.broadcast %shift_left3A_41 : i32 to vector<16xi32>
      %shift_left3A_43 = arith.shli %xor3A, %shift_left3A_42 : vector<16xi32>
      %shift_right_logical3A_44 = arith.constant 17 : i32
      %shift_right_logical3A_45 = vector.broadcast %shift_right_logical3A_44 : i32 to vector<16xi32>
      %shift_right_logical3A_46 = arith.shrui %xor3A, %shift_right_logical3A_45 : vector<16xi32>
      %or3A_47 = arith.ori %shift_left3A_43, %shift_right_logical3A_46 : vector<16xi32>
      %xor3A_48 = arith.xori %add3A_40, %or3A_47 : vector<16xi32>
      %add3A_49 = arith.addi %add3A_40, %xor3A_48 : vector<16xi32>
      %shift_left3A_50 = arith.constant 26 : i32
      %shift_left3A_51 = vector.broadcast %shift_left3A_50 : i32 to vector<16xi32>
      %shift_left3A_52 = arith.shli %xor3A_48, %shift_left3A_51 : vector<16xi32>
      %shift_right_logical3A_53 = arith.constant 6 : i32
      %shift_right_logical3A_54 = vector.broadcast %shift_right_logical3A_53 : i32 to vector<16xi32>
      %shift_right_logical3A_55 = arith.shrui %xor3A_48, %shift_right_logical3A_54 : vector<16xi32>
      %or3A_56 = arith.ori %shift_left3A_52, %shift_right_logical3A_55 : vector<16xi32>
      %xor3A_57 = arith.xori %add3A_49, %or3A_56 : vector<16xi32>
      %add3A_58 = arith.addi %add3A_49, %xor3A_57 : vector<16xi32>
      %shift_left3A_59 = arith.constant 6 : i32
      %shift_left3A_60 = vector.broadcast %shift_left3A_59 : i32 to vector<16xi32>
      %shift_left3A_61 = arith.shli %xor3A_57, %shift_left3A_60 : vector<16xi32>
      %shift_right_logical3A_62 = arith.constant 26 : i32
      %shift_right_logical3A_63 = vector.broadcast %shift_right_logical3A_62 : i32 to vector<16xi32>
      %shift_right_logical3A_64 = arith.shrui %xor3A_57, %shift_right_logical3A_63 : vector<16xi32>
      %or3A_65 = arith.ori %shift_left3A_61, %shift_right_logical3A_64 : vector<16xi32>
      %xor3A_66 = arith.xori %add3A_58, %or3A_65 : vector<16xi32>
      %add3A_67 = arith.constant 1 : i32
      %add3A_68 = vector.broadcast %add3A_67 : i32 to vector<16xi32>
      %add3A_69 = arith.addi %add3A_58, %add3A_68 : vector<16xi32>
      %add3A_70 = arith.constant 466688988 : i32
      %add3A_71 = vector.broadcast %add3A_70 : i32 to vector<16xi32>
      %add3A_72 = arith.addi %xor3A_66, %add3A_71 : vector<16xi32>
      %add3A_73 = arith.addi %add3A_69, %add3A_72 : vector<16xi32>
      %shift_left3A_74 = arith.constant 17 : i32
      %shift_left3A_75 = vector.broadcast %shift_left3A_74 : i32 to vector<16xi32>
      %shift_left3A_76 = arith.shli %add3A_72, %shift_left3A_75 : vector<16xi32>
      %shift_right_logical3A_77 = arith.constant 15 : i32
      %shift_right_logical3A_78 = vector.broadcast %shift_right_logical3A_77 : i32 to vector<16xi32>
      %shift_right_logical3A_79 = arith.shrui %add3A_72, %shift_right_logical3A_78 : vector<16xi32>
      %or3A_80 = arith.ori %shift_left3A_76, %shift_right_logical3A_79 : vector<16xi32>
      %xor3A_81 = arith.xori %add3A_73, %or3A_80 : vector<16xi32>
      %add3A_82 = arith.addi %add3A_73, %xor3A_81 : vector<16xi32>
      %shift_left3A_83 = arith.constant 29 : i32
      %shift_left3A_84 = vector.broadcast %shift_left3A_83 : i32 to vector<16xi32>
      %shift_left3A_85 = arith.shli %xor3A_81, %shift_left3A_84 : vector<16xi32>
      %shift_right_logical3A_86 = arith.constant 3 : i32
      %shift_right_logical3A_87 = vector.broadcast %shift_right_logical3A_86 : i32 to vector<16xi32>
      %shift_right_logical3A_88 = arith.shrui %xor3A_81, %shift_right_logical3A_87 : vector<16xi32>
      %or3A_89 = arith.ori %shift_left3A_85, %shift_right_logical3A_88 : vector<16xi32>
      %xor3A_90 = arith.xori %add3A_82, %or3A_89 : vector<16xi32>
      %add3A_91 = arith.addi %add3A_82, %xor3A_90 : vector<16xi32>
      %shift_left3A_92 = arith.constant 16 : i32
      %shift_left3A_93 = vector.broadcast %shift_left3A_92 : i32 to vector<16xi32>
      %shift_left3A_94 = arith.shli %xor3A_90, %shift_left3A_93 : vector<16xi32>
      %shift_right_logical3A_95 = arith.constant 16 : i32
      %shift_right_logical3A_96 = vector.broadcast %shift_right_logical3A_95 : i32 to vector<16xi32>
      %shift_right_logical3A_97 = arith.shrui %xor3A_90, %shift_right_logical3A_96 : vector<16xi32>
      %or3A_98 = arith.ori %shift_left3A_94, %shift_right_logical3A_97 : vector<16xi32>
      %xor3A_99 = arith.xori %add3A_91, %or3A_98 : vector<16xi32>
      %add3A_100 = arith.addi %add3A_91, %xor3A_99 : vector<16xi32>
      %shift_left3A_101 = arith.constant 24 : i32
      %shift_left3A_102 = vector.broadcast %shift_left3A_101 : i32 to vector<16xi32>
      %shift_left3A_103 = arith.shli %xor3A_99, %shift_left3A_102 : vector<16xi32>
      %shift_right_logical3A_104 = arith.constant 8 : i32
      %shift_right_logical3A_105 = vector.broadcast %shift_right_logical3A_104 : i32 to vector<16xi32>
      %shift_right_logical3A_106 = arith.shrui %xor3A_99, %shift_right_logical3A_105 : vector<16xi32>
      %or3A_107 = arith.ori %shift_left3A_103, %shift_right_logical3A_106 : vector<16xi32>
      %xor3A_108 = arith.xori %add3A_100, %or3A_107 : vector<16xi32>
      %add3A_109 = arith.constant 466688987 : i32
      %add3A_110 = vector.broadcast %add3A_109 : i32 to vector<16xi32>
      %add3A_111 = arith.addi %add3A_100, %add3A_110 : vector<16xi32>
      %add3A_112 = arith.constant 2 : i32
      %add3A_113 = vector.broadcast %add3A_112 : i32 to vector<16xi32>
      %add3A_114 = arith.addi %xor3A_108, %add3A_113 : vector<16xi32>
      %add3A_115 = arith.addi %add3A_111, %add3A_114 : vector<16xi32>
      %shift_left3A_116 = arith.constant 13 : i32
      %shift_left3A_117 = vector.broadcast %shift_left3A_116 : i32 to vector<16xi32>
      %shift_left3A_118 = arith.shli %add3A_114, %shift_left3A_117 : vector<16xi32>
      %shift_right_logical3A_119 = arith.constant 19 : i32
      %shift_right_logical3A_120 = vector.broadcast %shift_right_logical3A_119 : i32 to vector<16xi32>
      %shift_right_logical3A_121 = arith.shrui %add3A_114, %shift_right_logical3A_120 : vector<16xi32>
      %or3A_122 = arith.ori %shift_left3A_118, %shift_right_logical3A_121 : vector<16xi32>
      %xor3A_123 = arith.xori %add3A_115, %or3A_122 : vector<16xi32>
      %add3A_124 = arith.addi %add3A_115, %xor3A_123 : vector<16xi32>
      %shift_left3A_125 = arith.constant 15 : i32
      %shift_left3A_126 = vector.broadcast %shift_left3A_125 : i32 to vector<16xi32>
      %shift_left3A_127 = arith.shli %xor3A_123, %shift_left3A_126 : vector<16xi32>
      %shift_right_logical3A_128 = arith.constant 17 : i32
      %shift_right_logical3A_129 = vector.broadcast %shift_right_logical3A_128 : i32 to vector<16xi32>
      %shift_right_logical3A_130 = arith.shrui %xor3A_123, %shift_right_logical3A_129 : vector<16xi32>
      %or3A_131 = arith.ori %shift_left3A_127, %shift_right_logical3A_130 : vector<16xi32>
      %xor3A_132 = arith.xori %add3A_124, %or3A_131 : vector<16xi32>
      %add3A_133 = arith.addi %add3A_124, %xor3A_132 : vector<16xi32>
      %shift_left3A_134 = arith.constant 26 : i32
      %shift_left3A_135 = vector.broadcast %shift_left3A_134 : i32 to vector<16xi32>
      %shift_left3A_136 = arith.shli %xor3A_132, %shift_left3A_135 : vector<16xi32>
      %shift_right_logical3A_137 = arith.constant 6 : i32
      %shift_right_logical3A_138 = vector.broadcast %shift_right_logical3A_137 : i32 to vector<16xi32>
      %shift_right_logical3A_139 = arith.shrui %xor3A_132, %shift_right_logical3A_138 : vector<16xi32>
      %or3A_140 = arith.ori %shift_left3A_136, %shift_right_logical3A_139 : vector<16xi32>
      %xor3A_141 = arith.xori %add3A_133, %or3A_140 : vector<16xi32>
      %add3A_142 = arith.addi %add3A_133, %xor3A_141 : vector<16xi32>
      %shift_left3A_143 = arith.constant 6 : i32
      %shift_left3A_144 = vector.broadcast %shift_left3A_143 : i32 to vector<16xi32>
      %shift_left3A_145 = arith.shli %xor3A_141, %shift_left3A_144 : vector<16xi32>
      %shift_right_logical3A_146 = arith.constant 26 : i32
      %shift_right_logical3A_147 = vector.broadcast %shift_right_logical3A_146 : i32 to vector<16xi32>
      %shift_right_logical3A_148 = arith.shrui %xor3A_141, %shift_right_logical3A_147 : vector<16xi32>
      %or3A_149 = arith.ori %shift_left3A_145, %shift_right_logical3A_148 : vector<16xi32>
      %xor3A_150 = arith.xori %add3A_142, %or3A_149 : vector<16xi32>
      %add3A_151 = arith.constant 0 : i32
      %add3A_152 = vector.broadcast %add3A_151 : i32 to vector<16xi32>
      %add3A_153 = arith.addi %add3A_142, %add3A_152 : vector<16xi32>
      %add3A_154 = arith.constant 4 : i32
      %add3A_155 = vector.broadcast %add3A_154 : i32 to vector<16xi32>
      %add3A_156 = arith.addi %xor3A_150, %add3A_155 : vector<16xi32>
      %add3A_157 = arith.addi %add3A_153, %add3A_156 : vector<16xi32>
      %shift_left3A_158 = arith.constant 17 : i32
      %shift_left3A_159 = vector.broadcast %shift_left3A_158 : i32 to vector<16xi32>
      %shift_left3A_160 = arith.shli %add3A_156, %shift_left3A_159 : vector<16xi32>
      %shift_right_logical3A_161 = arith.constant 15 : i32
      %shift_right_logical3A_162 = vector.broadcast %shift_right_logical3A_161 : i32 to vector<16xi32>
      %shift_right_logical3A_163 = arith.shrui %add3A_156, %shift_right_logical3A_162 : vector<16xi32>
      %or3A_164 = arith.ori %shift_left3A_160, %shift_right_logical3A_163 : vector<16xi32>
      %xor3A_165 = arith.xori %add3A_157, %or3A_164 : vector<16xi32>
      %add3A_166 = arith.addi %add3A_157, %xor3A_165 : vector<16xi32>
      %shift_left3A_167 = arith.constant 29 : i32
      %shift_left3A_168 = vector.broadcast %shift_left3A_167 : i32 to vector<16xi32>
      %shift_left3A_169 = arith.shli %xor3A_165, %shift_left3A_168 : vector<16xi32>
      %shift_right_logical3A_170 = arith.constant 3 : i32
      %shift_right_logical3A_171 = vector.broadcast %shift_right_logical3A_170 : i32 to vector<16xi32>
      %shift_right_logical3A_172 = arith.shrui %xor3A_165, %shift_right_logical3A_171 : vector<16xi32>
      %or3A_173 = arith.ori %shift_left3A_169, %shift_right_logical3A_172 : vector<16xi32>
      %xor3A_174 = arith.xori %add3A_166, %or3A_173 : vector<16xi32>
      %add3A_175 = arith.addi %add3A_166, %xor3A_174 : vector<16xi32>
      %shift_left3A_176 = arith.constant 16 : i32
      %shift_left3A_177 = vector.broadcast %shift_left3A_176 : i32 to vector<16xi32>
      %shift_left3A_178 = arith.shli %xor3A_174, %shift_left3A_177 : vector<16xi32>
      %shift_right_logical3A_179 = arith.constant 16 : i32
      %shift_right_logical3A_180 = vector.broadcast %shift_right_logical3A_179 : i32 to vector<16xi32>
      %shift_right_logical3A_181 = arith.shrui %xor3A_174, %shift_right_logical3A_180 : vector<16xi32>
      %or3A_182 = arith.ori %shift_left3A_178, %shift_right_logical3A_181 : vector<16xi32>
      %xor3A_183 = arith.xori %add3A_175, %or3A_182 : vector<16xi32>
      %add3A_184 = arith.addi %add3A_175, %xor3A_183 : vector<16xi32>
      %shift_left3A_185 = arith.constant 24 : i32
      %shift_left3A_186 = vector.broadcast %shift_left3A_185 : i32 to vector<16xi32>
      %shift_left3A_187 = arith.shli %xor3A_183, %shift_left3A_186 : vector<16xi32>
      %shift_right_logical3A_188 = arith.constant 8 : i32
      %shift_right_logical3A_189 = vector.broadcast %shift_right_logical3A_188 : i32 to vector<16xi32>
      %shift_right_logical3A_190 = arith.shrui %xor3A_183, %shift_right_logical3A_189 : vector<16xi32>
      %or3A_191 = arith.ori %shift_left3A_187, %shift_right_logical3A_190 : vector<16xi32>
      %xor3A_192 = arith.xori %add3A_184, %or3A_191 : vector<16xi32>
      %add3A_193 = arith.constant 1 : i32
      %add3A_194 = vector.broadcast %add3A_193 : i32 to vector<16xi32>
      %add3A_195 = arith.addi %add3A_184, %add3A_194 : vector<16xi32>
      %add3A_196 = arith.constant 466688991 : i32
      %add3A_197 = vector.broadcast %add3A_196 : i32 to vector<16xi32>
      %add3A_198 = arith.addi %xor3A_192, %add3A_197 : vector<16xi32>
      %add3A_199 = arith.addi %add3A_195, %add3A_198 : vector<16xi32>
      %shift_left3A_200 = arith.constant 13 : i32
      %shift_left3A_201 = vector.broadcast %shift_left3A_200 : i32 to vector<16xi32>
      %shift_left3A_202 = arith.shli %add3A_198, %shift_left3A_201 : vector<16xi32>
      %shift_right_logical3A_203 = arith.constant 19 : i32
      %shift_right_logical3A_204 = vector.broadcast %shift_right_logical3A_203 : i32 to vector<16xi32>
      %shift_right_logical3A_205 = arith.shrui %add3A_198, %shift_right_logical3A_204 : vector<16xi32>
      %or3A_206 = arith.ori %shift_left3A_202, %shift_right_logical3A_205 : vector<16xi32>
      %xor3A_207 = arith.xori %add3A_199, %or3A_206 : vector<16xi32>
      %add3A_208 = arith.addi %add3A_199, %xor3A_207 : vector<16xi32>
      %shift_left3A_209 = arith.constant 15 : i32
      %shift_left3A_210 = vector.broadcast %shift_left3A_209 : i32 to vector<16xi32>
      %shift_left3A_211 = arith.shli %xor3A_207, %shift_left3A_210 : vector<16xi32>
      %shift_right_logical3A_212 = arith.constant 17 : i32
      %shift_right_logical3A_213 = vector.broadcast %shift_right_logical3A_212 : i32 to vector<16xi32>
      %shift_right_logical3A_214 = arith.shrui %xor3A_207, %shift_right_logical3A_213 : vector<16xi32>
      %or3A_215 = arith.ori %shift_left3A_211, %shift_right_logical3A_214 : vector<16xi32>
      %xor3A_216 = arith.xori %add3A_208, %or3A_215 : vector<16xi32>
      %add3A_217 = arith.addi %add3A_208, %xor3A_216 : vector<16xi32>
      %shift_left3A_218 = arith.constant 26 : i32
      %shift_left3A_219 = vector.broadcast %shift_left3A_218 : i32 to vector<16xi32>
      %shift_left3A_220 = arith.shli %xor3A_216, %shift_left3A_219 : vector<16xi32>
      %shift_right_logical3A_221 = arith.constant 6 : i32
      %shift_right_logical3A_222 = vector.broadcast %shift_right_logical3A_221 : i32 to vector<16xi32>
      %shift_right_logical3A_223 = arith.shrui %xor3A_216, %shift_right_logical3A_222 : vector<16xi32>
      %or3A_224 = arith.ori %shift_left3A_220, %shift_right_logical3A_223 : vector<16xi32>
      %xor3A_225 = arith.xori %add3A_217, %or3A_224 : vector<16xi32>
      %add3A_226 = arith.addi %add3A_217, %xor3A_225 : vector<16xi32>
      %shift_left3A_227 = arith.constant 6 : i32
      %shift_left3A_228 = vector.broadcast %shift_left3A_227 : i32 to vector<16xi32>
      %shift_left3A_229 = arith.shli %xor3A_225, %shift_left3A_228 : vector<16xi32>
      %shift_right_logical3A_230 = arith.constant 26 : i32
      %shift_right_logical3A_231 = vector.broadcast %shift_right_logical3A_230 : i32 to vector<16xi32>
      %shift_right_logical3A_232 = arith.shrui %xor3A_225, %shift_right_logical3A_231 : vector<16xi32>
      %or3A_233 = arith.ori %shift_left3A_229, %shift_right_logical3A_232 : vector<16xi32>
      %xor3A_234 = arith.xori %add3A_226, %or3A_233 : vector<16xi32>
      %add3A_235 = arith.constant 466688987 : i32
      %add3A_236 = vector.broadcast %add3A_235 : i32 to vector<16xi32>
      %add3A_237 = arith.addi %add3A_226, %add3A_236 : vector<16xi32>
      %add3A_238 = arith.constant 5 : i32
      %add3A_239 = vector.broadcast %add3A_238 : i32 to vector<16xi32>
      %add3A_240 = arith.addi %xor3A_234, %add3A_239 : vector<16xi32>
      %xor3A_241 = arith.xori %add3A_237, %add3A_240 : vector<16xi32>
      %shift_right_logical3A_242 = arith.constant 31 : i32
      %shift_right_logical3A_243 = vector.broadcast %shift_right_logical3A_242 : i32 to vector<16xi32>
      %shift_right_logical3A_244 = arith.shrui %xor3A_241, %shift_right_logical3A_243 : vector<16xi32>
      %eq3A = arith.constant 0 : i32
      %eq3A_245 = vector.broadcast %eq3A : i32 to vector<16xi32>
      %eq3A_246 = arith.cmpi eq, %shift_right_logical3A_244, %eq3A_245 : vector<16xi32>
      %mul3A_247 = arith.constant 16 : i32
      %mul3A_248 = arith.muli %scan3A_27, %mul3A_247 : i32
      %select_n3A = arith.select %eq3A_246, %add3A_10, %add3A_6 : vector<16xi1>, vector<16xf32>
      %swap3A = arith.index_cast %mul3A_248 : i32 to index
      %swap3A_249 = tpu.vector_load %arg5[%swap3A] {strides = array<i32>} : memref<512xf32, #tpu.memory_space<vmem>>, vector<16xf32>,
      tpu.vector_store %arg5[%swap3A], %select_n3A {strides = array<i32>} : memref<512xf32, #tpu.memory_space<vmem>>, vector<16xf32>,
      %select_n3A_250 = arith.select %eq3A_246, %add3A_18, %add3A_14 : vector<16xi1>, vector<16xf32>
      %swap3A_251 = arith.index_cast %mul3A_248 : i32 to index
      %swap3A_252 = tpu.vector_load %arg6[%swap3A_251] {strides = array<i32>} : memref<512xf32, #tpu.memory_space<vmem>>, vector<16xf32>,
      tpu.vector_store %arg6[%swap3A_251], %select_n3A_250 {strides = array<i32>} : memref<512xf32, #tpu.memory_space<vmem>>, vector<16xf32>,
    }
    %scan3A_25 = arith.constant 32 : i32
    %run_scoped3A = arith.constant 0 : i32
    "tpu.region"() ({
      %run_scoped3A_27 = tpu.sem_alloc : memref<!tpu.dma_semaphore, #tpu.memory_space<semaphore_mem>>
      %dma_start3A = tpu.memref_slice %arg3[%run_scoped3A, %mul3A_2] : memref<2x16384xf32, #tpu.memory_space<hbm>> -> memref<1x512xf32, #tpu.memory_space<hbm>>
      %dma_start3A_28 = tpu.memref_squeeze %dma_start3A : memref<1x512xf32, #tpu.memory_space<hbm>> -> memref<512xf32, #tpu.memory_space<hbm>>
      %dma_start3A_29 = tpu.memref_slice %arg3[%run_scoped3A, %mul3A_2] : memref<2x16384xf32, #tpu.memory_space<hbm>> -> memref<1x512xf32, #tpu.memory_space<hbm>>
      %dma_start3A_30 = tpu.memref_squeeze %dma_start3A_29 : memref<1x512xf32, #tpu.memory_space<hbm>> -> memref<512xf32, #tpu.memory_space<hbm>>
      tpu.enqueue_dma source(%arg5 : memref<512xf32, #tpu.memory_space<vmem>>) target(%dma_start3A_30 : memref<512xf32, #tpu.memory_space<hbm>>) target_semaphore(%run_scoped3A_27 : memref<!tpu.dma_semaphore, #tpu.memory_space<semaphore_mem>>)
      %dma_wait3A = tpu.memref_slice %arg3[%run_scoped3A, %mul3A_2] : memref<2x16384xf32, #tpu.memory_space<hbm>> -> memref<1x512xf32, #tpu.memory_space<hbm>>
      %dma_wait3A_31 = tpu.memref_squeeze %dma_wait3A : memref<1x512xf32, #tpu.memory_space<hbm>> -> memref<512xf32, #tpu.memory_space<hbm>>
      %dma_wait3A_32 = tpu.memref_slice %arg3[%run_scoped3A, %mul3A_2] : memref<2x16384xf32, #tpu.memory_space<hbm>> -> memref<1x512xf32, #tpu.memory_space<hbm>>
      %dma_wait3A_33 = tpu.memref_squeeze %dma_wait3A_32 : memref<1x512xf32, #tpu.memory_space<hbm>> -> memref<512xf32, #tpu.memory_space<hbm>>
      tpu.wait_dma2 semaphore(%run_scoped3A_27 : memref<!tpu.dma_semaphore, #tpu.memory_space<semaphore_mem>>) src(%arg5 : memref<512xf32, #tpu.memory_space<vmem>>) dst(%dma_wait3A_33 : memref<512xf32, #tpu.memory_space<hbm>>)
      tpu.yield
    }) : () -> ()
    %run_scoped3A_26 = arith.constant 1 : i32
    "tpu.region"() ({
      %run_scoped3A_27 = tpu.sem_alloc : memref<!tpu.dma_semaphore, #tpu.memory_space<semaphore_mem>>
      %dma_start3A = tpu.memref_slice %arg3[%run_scoped3A_26, %mul3A_2] : memref<2x16384xf32, #tpu.memory_space<hbm>> -> memref<1x512xf32, #tpu.memory_space<hbm>>
      %dma_start3A_28 = tpu.memref_squeeze %dma_start3A : memref<1x512xf32, #tpu.memory_space<hbm>> -> memref<512xf32, #tpu.memory_space<hbm>>
      %dma_start3A_29 = tpu.memref_slice %arg3[%run_scoped3A_26, %mul3A_2] : memref<2x16384xf32, #tpu.memory_space<hbm>> -> memref<1x512xf32, #tpu.memory_space<hbm>>
      %dma_start3A_30 = tpu.memref_squeeze %dma_start3A_29 : memref<1x512xf32, #tpu.memory_space<hbm>> -> memref<512xf32, #tpu.memory_space<hbm>>
      tpu.enqueue_dma source(%arg6 : memref<512xf32, #tpu.memory_space<vmem>>) target(%dma_start3A_30 : memref<512xf32, #tpu.memory_space<hbm>>) target_semaphore(%run_scoped3A_27 : memref<!tpu.dma_semaphore, #tpu.memory_space<semaphore_mem>>)
      %dma_wait3A = tpu.memref_slice %arg3[%run_scoped3A_26, %mul3A_2] : memref<2x16384xf32, #tpu.memory_space<hbm>> -> memref<1x512xf32, #tpu.memory_space<hbm>>
      %dma_wait3A_31 = tpu.memref_squeeze %dma_wait3A : memref<1x512xf32, #tpu.memory_space<hbm>> -> memref<512xf32, #tpu.memory_space<hbm>>
      %dma_wait3A_32 = tpu.memref_slice %arg3[%run_scoped3A_26, %mul3A_2] : memref<2x16384xf32, #tpu.memory_space<hbm>> -> memref<1x512xf32, #tpu.memory_space<hbm>>
      %dma_wait3A_33 = tpu.memref_squeeze %dma_wait3A_32 : memref<1x512xf32, #tpu.memory_space<hbm>> -> memref<512xf32, #tpu.memory_space<hbm>>
      tpu.wait_dma2 semaphore(%run_scoped3A_27 : memref<!tpu.dma_semaphore, #tpu.memory_space<semaphore_mem>>) src(%arg6 : memref<512xf32, #tpu.memory_space<vmem>>) dst(%dma_wait3A_33 : memref<512xf32, #tpu.memory_space<hbm>>)
      tpu.yield
    }) : () -> ()
    return
  }
}

</mosaic_0001>

<sc_bundles>
// kernel: kernel.3.cloned.1.call-start
scs
__scs_entry_jumppad:
0x0: {  	(pc) =	sbr.rel $0x88, $3  }
0x1: {  	(tag) =	ssettag $0x0;
	lr =	simm.s32 $0x1  }
0x2: {  	[smem:$0x3FA0] =	sst lr;
	_ =	strace $0xD0000000  }
0x3: {  	_ = 	snop  }
0x4: {  	_ = 	snop  }
0x5: {  	_ = 	snop  }
0x6: {  	_ = 	snop  }
0x7: {  	_ = 	snop  }
__scs_overlays_trampoline_lowered:
0x8: {  	[smem:$0x3FAF] =	sst s0  }
0x9: {  	[smem:$0x3FB0] =	sst s1  }
0xa: {  	[smem:$0x3FB1] =	sst s2  }
0xb: {  	[smem:$0x3FB2] =	sst s3  }
0xc: {  	[smem:$0x3FB3] =	sst s4  }
0xd: {  	[smem:$0x3FB4] =	sst s5  }
0xe: {  	[smem:$0x3FB5] =	sst s6  }
0xf: {  	[smem:$0x3FB6] =	sst s7  }
0x10: {  	[smem:$0x3FB7] =	sst s8  }
0x11: {  	[smem:$0x3FB8] =	sst s9;
	s0 =	simm.s32 @!p0 $0x0  }
0x12: {  	s1 =	sld [smem:$0x3F9E];
	s0 =	simm.s32 @p0 $0x1  }
0x13: {  	[smem:$0x3FB9] =	sst s0;
	s0 =	simm.s32 @!p1 $0x0  }
0x14: {  	s2 =	sld [smem:$0x3F9D];
	s0 =	simm.s32 @p1 $0x1  }
0x15: {  	[smem:$0x3FBA] =	sst s0;
	s0 =	simm.s32 @!p2 $0x0  }
0x16: {  	s3 =	sld [smem:$0x3FDB];
	s0 =	simm.s32 @p2 $0x1  }
0x17: {  	s4 =	simm.s32 $0x1BF5;
	[smem:$0x3FBC] =	sst s0  }
0x18: {  	s0 =	sld [smem:$0x3F9F];
	_ =	swait.ge [sflag:s4], $0x0  }
0x19: {  	s7 =	sld [smem:$0x3FA0]  }
0x1a: {  	s8 =	sadd.s32 $0xFFFFE003, lr  }
0x1b: {  	s9 =	sadd.s32 $0xFFFFFEF7, lr;
	s5 =	simm.s32 $0xFFFFFFFF;
	p2 =	slt.u32 s8, $0xFFFFF086  }
0x1c: {  	p1 =	slt.u32 s9, $0xF7A;
	s5 =	simm.s32 @!p2 $0x0  }
0x1d: {  	s5 =	simm.s32 @p1 $0x1;
	p0 =	seq.s32 s7, s2  }
0x1e: {  	s7 =	smul.u32 @!p0 $0xF7A, s2;
	p2 =	seq.s32 @!p0 s5, $0x0  }
0x1f: {  	s9 =	smul.u32 $0xF7A, s1;
	s8 =	simm.s32 @!p0 $0x1BF5;
	p2 =	por !p2, p0  }
0x20: {  	[sflag:s8] =	ssyncset.s32 @!p0 $0xFFFFF086;
	s6 =	sadd.s32 @!p0 s3, s7;
	s7 =	simm.s32 @!p0 $0x108  }
0x21: {  	s3 =	sadd.s32 s3, s9;
	s6 =	sadd.s32 @!p0 $0x88, s6;
	s7 =	simm.s32 @p2 $0x1082  }
0x22: {  	[simem:s7], [sflag:s8] =	dma.local @!p0 [hbm:s6], $0xF7A  }
0x23: {  	s9 =	sor.u32 $0xD0000000, s2;
	s6 =	simm.s32 $0x108;
	_ =	swait.ge @!p0 [sflag:s8], $0x0  }
0x24: {  	s3 =	sadd.s32 $0x88, s3;
	s6 =	simm.s32 @!p1 $0x1082;
	[sflag:s4] =	ssyncset.s32 $0xFFFFF086  }
0x25: {  	[simem:s6], [sflag:s4] =	dma.local [hbm:s3], $0xF7A  }
0x26: {  	[smem:$0x3FA0] =	sst s1;
	(tag) =	ssettag s2;
	_ =	strace s9  }
0x27: {  	s1 =	sld [smem:$0x3FB0]  }
0x28: {  	s2 =	sld [smem:$0x3FB1]  }
0x29: {  	s4 =	sld [smem:$0x3FB3]  }
0x2a: {  	p0 =	seq.s32 s5, $0x0;
	s5 =	sld [smem:$0x3FB4]  }
0x2b: {  	s6 =	sld [smem:$0x3FB5]  }
0x2c: {  	s7 =	sld [smem:$0x3FB6]  }
0x2d: {  	s3 =	simm.s32 $0x108;
	s8 =	sld [smem:$0x3FB7]  }
0x2e: {  	s3 =	simm.s32 @!p0 $0x1082;
	s9 =	sld [smem:$0x3FB8]  }
0x2f: {  	lr =	sadd.s32 s0, s3;
	s0 =	sld [smem:$0x3FAF]  }
0x30: {  	s3 =	sld [smem:$0x3FB2]  }
0x31: {  	[smem:$0x3FBB] =	sst s10  }
0x32: {  	s10 =	sld [smem:$0x3FB9];
	_ =	sdelay $0x3  }
0x33: {  	p0 =	seq.s32 s10, $0x1;
	s10 =	sld [smem:$0x3FBB];
	_ =	sdelay $0x3  }
0x34: {  	[smem:$0x3FBB] =	sst s10  }
0x35: {  	s10 =	sld [smem:$0x3FBA];
	_ =	sdelay $0x3  }
0x36: {  	p1 =	seq.s32 s10, $0x1;
	s10 =	sld [smem:$0x3FBB];
	_ =	sdelay $0x3  }
0x37: {  	[smem:$0x3FBB] =	sst s10  }
0x38: {  	s10 =	sld [smem:$0x3FBC]  }
0x39: {  	_ = 	snop;
	(pc) =	sbr.ind lr, $3  }
0x3a: {  	_ = 	snop  }
0x3b: {  	_ = 	snop  }
0x3c: {  	p2 =	seq.s32 s10, $0x1;
	s10 =	sld [smem:$0x3FBB]  }
0x3d: {  	_ =	shalt  }
0x3e: {  	_ =	shalt  }
0x3f: {  	_ =	shalt  }
0x40: {  	_ =	shalt  }
0x41: {  	_ =	shalt  }
0x42: {  	_ =	shalt  }
0x43: {  	_ =	shalt  }
0x44: {  	_ =	shalt  }
0x45: {  	_ =	shalt  }
0x46: {  	_ =	shalt  }
0x47: {  	_ =	shalt  }
0x48: {  	_ =	shalt  }
0x49: {  	_ =	shalt  }
0x4a: {  	_ =	shalt  }
0x4b: {  	_ =	shalt  }
0x4c: {  	_ =	shalt  }
0x4d: {  	_ =	shalt  }
0x4e: {  	_ =	shalt  }
0x4f: {  	_ =	shalt  }
0x50: {  	_ =	shalt  }
0x51: {  	_ =	shalt  }
0x52: {  	_ =	shalt  }
0x53: {  	_ =	shalt  }
0x54: {  	_ =	shalt  }
0x55: {  	_ =	shalt  }
0x56: {  	_ =	shalt  }
0x57: {  	_ =	shalt  }
0x58: {  	_ =	shalt  }
0x59: {  	_ =	shalt  }
0x5a: {  	_ =	shalt  }
0x5b: {  	_ =	shalt  }
0x5c: {  	_ =	shalt  }
0x5d: {  	_ =	shalt  }
0x5e: {  	_ =	shalt  }
0x5f: {  	_ =	shalt  }
0x60: {  	_ =	shalt  }
0x61: {  	_ =	shalt  }
0x62: {  	_ =	shalt  }
0x63: {  	_ =	shalt  }
0x64: {  	_ =	shalt  }
0x65: {  	_ =	shalt  }
0x66: {  	_ =	shalt  }
0x67: {  	_ =	shalt  }
0x68: {  	_ =	shalt  }
0x69: {  	_ =	shalt  }
0x6a: {  	_ =	shalt  }
0x6b: {  	_ =	shalt  }
0x6c: {  	_ =	shalt  }
0x6d: {  	_ =	shalt  }
0x6e: {  	_ =	shalt  }
0x6f: {  	_ =	shalt  }
0x70: {  	_ =	shalt  }
0x71: {  	_ =	shalt  }
0x72: {  	_ =	shalt  }
0x73: {  	_ =	shalt  }
0x74: {  	_ =	shalt  }
0x75: {  	_ =	shalt  }
0x76: {  	_ =	shalt  }
0x77: {  	_ =	shalt  }
0x78: {  	_ =	shalt  }
0x79: {  	_ =	shalt  }
0x7a: {  	_ =	shalt  }
0x7b: {  	_ =	shalt  }
0x7c: {  	_ =	shalt  }
0x7d: {  	_ =	shalt  }
0x7e: {  	_ =	shalt  }
0x7f: {  	_ =	shalt  }
0x80: {  	_ =	shalt  }
0x81: {  	_ =	shalt  }
0x82: {  	_ =	shalt  }
0x83: {  	_ =	shalt  }
0x84: {  	_ =	shalt  }
0x85: {  	_ =	shalt  }
0x86: {  	_ =	shalt  }
0x87: {  	_ =	shalt  }
.Lfunc_end0:
.L_simem_size_0:
called_computation_lowered:
.L_overlay_start_0:
0x88: {  	s2 =	sld [smem:$0x3FD9]  }
0x89: {  	s3 =	sld [smem:$0x3FFE];
	_ =	sdelay $0x1  }
0x8a: {  	s1 =	srdreg.scid  }
0x8b: {  	s0 =	sand.u32 $0x1, s1  }
0x8c: {  	s17 =	sshll.u32 s0, $0xA;
	s2 =	sadd.s32 s3, s2  }
0x8d: {  	s2 =	sadd.s32 s2, s17  }
0x8e: {  	[smem:$0x3FC7] =	sst s2  }
0x8f: {  	_ = 	snop  }
0x90: {  	s2 =	sld [smem:$0x3FD0];
	(tm) =	ssettm $0x1  }
0x91: {  	s18 =	sld [smem:$0x3FFB];
	_ =	sdelay $0x3  }
0x92: {  	_ =	strace s18  }
0x93: {  	s3 =	sld [smem:$0x3FFC];
	_ =	sdelay $0x3  }
0x94: {  	_ =	strace s3  }
0x95: {  	s3 =	sld [smem:$0x3FFD];
	_ =	sdelay $0x3  }
0x96: {  	_ =	strace s3  }
0x97: {  	_ =	strace $0x8FFFFFFF  }
0x98: {  	s19 =	sld [smem:$0x3FDB];
	_ =	sdelay $0x1  }
0x99: {  	s4 =	simm.s32 $_scs_section_size  }
0x9a: {  	s5 =	simm.s32 $_size__tile_overlayer_lowered;
	s6 =	simm.s32 $_tile_overlayer_lowered  }
0x9b: {  	s22 =	simm.s32 $0x1BFF;
	s21 =	sshll.u32 s6, $0x1;
	s3 =	sadd.s32 s4, s19  }
0x9c: {  	s7 =	simm.s32 $0x0;
	s20 =	sshll.u32 s5, $0x1;
	s5 =	sadd.s32 s21, s3  }
0x9d: {  	[timem:s7], [sflag:s22] =	dma.local [hbm:s5], s20  }
0x9e: {  	_ =	swait.ge [sflag:s22], s20  }
0x9f: {  	s4 =	ssub.s32 $0x0, s20;
	[sflag:s22] =	ssyncset.done $0x0  }
0xa0: {  	[sflag:s22] =	ssyncadd.s32 s4;
	_ =	sdelay $0x1  }
0xa1: {  	s23 =	simm.s32 $0x1B8B  }
0xa2: {  	_ =	swait.ge [sflag:s23], $0x1  }
0xa3: {  	[sflag:s23] =	ssyncset.done $0x0  }
0xa4: {  	s25 =	simm.s32 $0x1B8E;
	s24 =	sld [smem:$0x3FFE];
	[sflag:s23] =	ssyncadd.s32 $0xFFFFFFFF  }
0xa5: {  	s26 =	simm.s32 $execute0_lowered;
	[smem:$0x3FD2] =	sst s25  }
0xa6: {  	s5 =	sshll.u32 s26, $0x1;
	_ =	strace $0x80000046;
	[dreg:$0x1] =	wrdreg $0xFFFFFFFF  }
0xa7: {  	s28 =	simm.s32 $_size_execute0_lowered;
	s3 =	sadd.s32 s3, s5;
	[dreg:$0x0] =	wrdreg $0x0  }
0xa8: {  	s5 =	sshll.u32 s28, $0x1;
	[dreg:$0x2] =	wrdreg s3  }
0xa9: {  	[dreg:$0x3] =	wrdreg s5  }
0xaa: {  	[dreg:$0x4] =	wrdreg $0xC0  }
0xab: {  	_ =	task [dreg:s7], $0x5FFFF  }
0xac: {  	[dreg:$0x1] =	wrdreg $0xFFFFFFFF  }
0xad: {  	[dreg:$0x0] =	wrdreg $0x60  }
0xae: {  	[dreg:$0x2] =	wrdreg s24  }
0xaf: {  	[dreg:$0x3] =	wrdreg s2  }
0xb0: {  	[dreg:$0x4] =	wrdreg $0x9  }
0xb1: {  	_ =	task.clear_ibuf [dreg:s7], $0x5FFFF;
	_ =	strace $0x90000046  }
0xb2: {  	s29 =	simm.s32 $0x9;
	_ =	strace $0x80000048  }
0xb3: {  	_ =	swait.ge [sflag:s29], $0x1  }
0xb4: {  	[sflag:s29] =	ssyncadd.s32 $0xFFFFFFFF  }
0xb5: {  	_ =	strace $0x90000048  }
0xb6: {  	_ =	sfence  }
0xb7: {  	s30 =	sld [smem:$0x0];
	_ =	sdelay $0x2  }
0xb8: {  	s31 =	sshll.u32 s1, $0xD;
	s1 =	sshrl.u32 s1, $0x2  }
0xb9: {  	s3 =	sand.u32 $0x4000, s31;
	s1 =	sadd.s32 s1, s30  }
0xba: {  	s0 =	sor.u32 s3, s0;
	s1 =	sshll.u32 s1, $0x11  }
0xbb: {  	s0 =	sor.u32 s1, s0  }
0xbc: {  	s0 =	sadd.s32 $0x8F2B, s0  }
0xbd: {  	[sflag:s0] =	ssyncadd.remote.s32 $0x1  }
0xbe: {  	_ =	sfence.sel $0xFFFF  }
0xbf: {  	[dreg:$0x0] =	wrdreg $0xFFFFFFFF;
	(pc) =	sbr.abs _section_cstart, $3  }
0xc0: {  	[dreg:$0x1] =	wrdreg $0xFFFFFFFF  }
0xc1: {  	_ =	task.clear_ibuf [dreg:s7], $0x2FFFF;
	_ =	strace $0x9FFFFFFF  }
0xc2: {  	(tm) =	ssettm $0x7FFFFFFF  }
0xc3: {  	_ =	shalt  }
tec
execute0_lowered:
.L_overlay_start_1:
0x0: {  	(tag) =	ssettag $0x1  }
0x1: {  	s4 =	rddreg [dreg:$0x0];
	s0 =	srdreg.scid  }
0x2: {  	s3 =	rddreg [dreg:$0x1];
	s1 =	stileid.u32;
	s2 =	simm.s32 $0x0  }
0x3: {  	s9 =	simm.s32 $0x100;
	s10 =	simm.s32 $0x80;
	s11 =	simm.s32 $0x280  }
0x4: {  	s12 =	simm.s32 $0x0;
	s5 =	sand.u32 $0x1, s0;
	s0 =	rddreg [dreg:$0x2]  }
0x5: {  	s6 =	sshll.u32 s1, $0xA;
	[smem:$0x7FF] =	sst s2;
	s7 =	sshll.u32 s5, $0x9  }
0x6: {  	s4 =	sadd.s32 $0x600, s4;
	s5 =	ssub.s32 $0x2, s5;
	s7 =	sor.u32 s7, s6  }
0x7: {  	_ =	strace $0x80000047;
	s31 =	sshrl.u32 s5, $0x1;
	s8 =	sshrl.u32 s7, $0x2  }
0x8: {  	s6 =	ssub.s32 s5, s31;
	s7 =	sor.u32 $0x1, s7;
	s3 =	sadd.s32 s3, s8  }
0x9: {  	v0 =	vlaneseq.u32;
	s6 =	smax.u32 s6, $0x1;
	s8 =	simm.s32 $0x1;
	s5 =	sadd.s32 $0x10, s3  }
.LBB2_1:
0xa: {  	v1 =	vadd.s32 s7, v0  }
0xb: {  	v2 =	vshrl.u32 v1, $0x13;
	v3 =	vshll.u32 v1, $0xD  }
0xc: {  	v2 =	vor.u32 v2, v3  }
0xd: {  	v2 =	vxor.u32 v1, v2  }
0xe: {  	v3 =	vshrl.u32 v2, $0x11;
	v4 =	vshll.u32 v2, $0xF  }
0xf: {  	v1 =	vadd.s32 v1, v2;
	v2 =	vor.u32 v3, v4  }
0x10: {  	v2 =	vxor.u32 v2, v1  }
0x11: {  	v3 =	vshrl.u32 v2, $0x6;
	v4 =	vshll.u32 v2, $0x1A  }
0x12: {  	v1 =	vadd.s32 v1, v2;
	v2 =	vor.u32 v3, v4  }
0x13: {  	v2 =	vxor.u32 v2, v1  }
0x14: {  	v3 =	vshrl.u32 v2, $0x1A;
	v4 =	vshll.u32 v2, $0x6  }
0x15: {  	v1 =	vadd.s32 v1, v2;
	v2 =	vor.u32 v3, v4  }
0x16: {  	v2 =	vxor.u32 v2, v1  }
0x17: {  	v2 =	vadd.s32 $0x1BD11BDC, v2  }
0x18: {  	v1 =	vadd.s32 v2, v1;
	v3 =	vshrl.u32 v2, $0xF;
	v2 =	vshll.u32 v2, $0x11  }
0x19: {  	v1 =	vadd.s32 $0x1, v1;
	v2 =	vor.u32 v3, v2  }
0x1a: {  	[tilespmem:s2], [sflag:$0x1] =	stream.linear.gather [hbm4b:s4+s2], $0x80, $0x38;
	v2 =	vxor.u32 v2, v1;
	[tilespmem:$0x480] =	vst v63  }
0x1b: {  	_ =	swait.ge [sflag:s8], $0x80;
	v3 =	vshrl.u32 v2, $0x3;
	v4 =	vshll.u32 v2, $0x1D  }
0x1c: {  	[sflag:s8] =	ssyncset.done $0x0;
	v1 =	vadd.s32 v1, v2;
	v2 =	vor.u32 v3, v4  }
0x1d: {  	[sflag:s8] =	ssyncadd.s32 $0xFFFFFF80;
	v2 =	vxor.u32 v2, v1  }
0x1e: {  	v3 =	vld [tilespmem:$0x0];
	v4 =	vshrl.u32 v2, $0x10;
	v5 =	vshll.u32 v2, $0x10  }
0x1f: {  	v1 =	vadd.s32 v1, v2;
	v2 =	vor.u32 v4, v5  }
0x20: {  	v2 =	vxor.u32 v2, v1  }
0x21: {  	v4 =	vshrl.u32 v2, $0x8;
	v5 =	vshll.u32 v2, $0x18  }
0x22: {  	v2 =	vadd.s32 v1, v2;
	v1 =	vor.u32 v4, v5  }
0x23: {  	s15 =	sadd.s32 $0x10, s7;
	v6 =	vadd.f32 $0.0e+00, v3;
	v3 =	vxor.u32 v1, v2  }
0x24: {  	v7 =	vadd.s32 s15, v0;
	v3 =	vadd.s32 $0x2, v3  }
0x25: {  	v4 =	vadd.s32 v3, v2;
	v5 =	vshrl.u32 v3, $0x13;
	v3 =	vshll.u32 v3, $0xD  }
0x26: {  	v8 =	vshrl.u32 v7, $0x13;
	v4 =	vadd.s32 $0x1BD11BDB, v4;
	v5 =	vor.u32 v5, v3  }
0x27: {  	v11 =	vshll.u32 v7, $0xD;
	v1 =	vbroadcast v6, $0x0;
	v5 =	vxor.u32 v5, v4  }
0x28: {  	v2 =	vbroadcast v6, $0x1;
	v9 =	vshrl.u32 v5, $0x11;
	v10 =	vshll.u32 v5, $0xF  }
0x29: {  	v3 =	vbroadcast v6, $0x2;
	v5 =	vadd.s32 v4, v5;
	v9 =	vor.u32 v9, v10  }
0x2a: {  	v4 =	vbroadcast v6, $0x3;
	v6 =	vor.u32 v8, v11;
	v8 =	vxor.u32 v9, v5  }
0x2b: {  	v9 =	vxor.u32 v7, v6;
	v10 =	vshrl.u32 v8, $0x6;
	v11 =	vshll.u32 v8, $0x1A  }
0x2c: {  	v6 =	vadd.s32 v7, v9;
	v5 =	vadd.s32 v5, v8;
	v7 =	vor.u32 v10, v11  }
0x2d: {  	v8 =	vshrl.u32 v9, $0x11;
	v9 =	vshll.u32 v9, $0xF;
	v7 =	vxor.u32 v7, v5  }
0x2e: {  	v8 =	vor.u32 v8, v9;
	v9 =	vshrl.u32 v7, $0x1A;
	v10 =	vshll.u32 v7, $0x6  }
0x2f: {  	v8 =	vxor.u32 v8, v6;
	v5 =	vadd.s32 v5, v7;
	v7 =	vor.u32 v9, v10  }
0x30: {  	s13 =	simm.s32 $0x40;
	s16 =	simm.s32 $0x80;
	s14 =	simm.s32 $0x0;
	v9 =	vshrl.u32 v8, $0x6;
	v10 =	vshll.u32 v8, $0x1A;
	v7 =	vxor.u32 v7, v5  }
.LBB2_2:
0x31: {  	p0 =	sne.s32 s16, $0x7C0;
	v6 =	vadd.s32 v6, v8;
	v8 =	vor.u32 v9, v10;
	v7 =	vadd.s32 $0x4, v7  }
0x32: {  	v8 =	vxor.u32 v8, v6;
	v9 =	vshrl.u32 v7, $0xF;
	v10 =	vshll.u32 v7, $0x11  }
0x33: {  	v5 =	vadd.s32 v5, v7;
	v6 =	vadd.s32 v6, v8;
	v7 =	vor.u32 v9, v10  }
0x34: {  	v9 =	vshrl.u32 v8, $0x1A;
	v8 =	vshll.u32 v8, $0x6;
	v7 =	vxor.u32 v7, v5  }
0x35: {  	v8 =	vor.u32 v9, v8;
	v9 =	vshrl.u32 v7, $0x3;
	v10 =	vshll.u32 v7, $0x1D  }
0x36: {  	v8 =	vxor.u32 v8, v6;
	v5 =	vadd.s32 v5, v7;
	v7 =	vor.u32 v9, v10  }
0x37: {  	v8 =	vadd.s32 $0x1BD11BDC, v8;
	v7 =	vxor.u32 v7, v5  }
0x38: {  	v6 =	vadd.s32 v8, v6;
	v9 =	vshrl.u32 v7, $0x10;
	v10 =	vshll.u32 v7, $0x10  }
0x39: {  	v11 =	vshrl.u32 v8, $0xF;
	v5 =	vadd.s32 v5, v7;
	v7 =	vor.u32 v9, v10  }
0x3a: {  	v8 =	vshll.u32 v8, $0x11;
	v6 =	vadd.s32 $0x1, v6;
	v7 =	vxor.u32 v7, v5  }
0x3b: {  	v8 =	vor.u32 v11, v8;
	v9 =	vshrl.u32 v7, $0x8;
	v10 =	vshll.u32 v7, $0x18  }
0x3c: {  	v8 =	vxor.u32 v8, v6;
	v5 =	vadd.s32 v5, v7;
	v7 =	vor.u32 v9, v10  }
0x3d: {  	v9 =	vshrl.u32 v8, $0x3;
	v10 =	vshll.u32 v8, $0x1D;
	v7 =	vxor.u32 v7, v5  }
0x3e: {  	v6 =	vadd.s32 v6, v8;
	v8 =	vor.u32 v9, v10;
	v7 =	vadd.s32 $0x1BD11BDF, v7  }
0x3f: {  	v5 =	vadd.s32 v7, v5;
	v9 =	vshrl.u32 v7, $0x13;
	v7 =	vshll.u32 v7, $0xD  }
0x40: {  	v8 =	vxor.u32 v8, v6;
	v5 =	vadd.s32 $0x1, v5;
	v7 =	vor.u32 v9, v7  }
0x41: {  	v6 =	vadd.s32 v6, v8;
	v9 =	vshrl.u32 v8, $0x10;
	v7 =	vxor.u32 v7, v5  }
0x42: {  	v8 =	vshll.u32 v8, $0x10;
	v10 =	vshrl.u32 v7, $0x11;
	v11 =	vshll.u32 v7, $0xF  }
0x43: {  	s15 =	sadd.s32 $0x10, s15;
	v8 =	vor.u32 v9, v8;
	v5 =	vadd.s32 v5, v7;
	v7 =	vor.u32 v10, v11  }
0x44: {  	v9 =	vadd.s32 s15, v0;
	v8 =	vxor.u32 v8, v6;
	v7 =	vxor.u32 v7, v5  }
0x45: {  	v10 =	vshrl.u32 v8, $0x8;
	v11 =	vshrl.u32 v7, $0x6;
	v12 =	vshll.u32 v7, $0x1A  }
0x46: {  	v13 =	vshll.u32 v8, $0x18;
	v5 =	vadd.s32 v5, v7;
	v7 =	vor.u32 v11, v12  }
0x47: {  	v6 =	vadd.s32 v6, v8;
	v8 =	vor.u32 v10, v13;
	v7 =	vxor.u32 v7, v5  }
0x48: {  	v8 =	vxor.u32 v8, v6;
	v10 =	vshrl.u32 v7, $0x1A;
	v11 =	vshll.u32 v7, $0x6  }
0x49: {  	v8 =	vadd.s32 $0x2, v8;
	v5 =	vadd.s32 v5, v7;
	v7 =	vor.u32 v10, v11  }
0x4a: {  	v6 =	vadd.s32 v8, v6;
	v10 =	vshrl.u32 v8, $0x13;
	v7 =	vxor.u32 v7, v5  }
0x4b: {  	v8 =	vshll.u32 v8, $0xD;
	v5 =	vadd.s32 $0x1BD11BDB, v5;
	v7 =	vadd.s32 $0x5, v7  }
0x4c: {  	v6 =	vadd.s32 $0x1BD11BDB, v6;
	v8 =	vor.u32 v10, v8;
	v5 =	vxor.u32 v5, v7  }
0x4d: {  	v8 =	vxor.u32 v8, v6;
	v7 =	vshrl.u32 v9, $0x13;
	vm0 =	vgt.s32 v5, $0xFFFFFFFF  }
0x4e: {  	s17 =	sshra.s32 s14, $0x2;
	s14 =	smov.u32 s13;
	s13 =	smov.u32 s16;
	v10 =	vshll.u32 v8, $0xF;
	v5 =	vshrl.u32 v8, $0x11;
	v11 =	vsel vm0, v4, v3  }
0x4f: {  	v12 =	vshll.u32 v9, $0xD;
	v8 =	vadd.s32 v6, v8;
	v5 =	vor.u32 v5, v10;
	[tilespmem:s17+$0x280] =	vst v11  }
0x50: {  	v6 =	vor.u32 v7, v12;
	v7 =	vsel vm0, v2, v1;
	v5 =	vxor.u32 v5, v8  }
0x51: {  	v10 =	vxor.u32 v9, v6;
	v11 =	vshrl.u32 v5, $0x6;
	v12 =	vshll.u32 v5, $0x1A;
	[tilespmem:s17+$0x80] =	vst v7  }
.Ltmp0:
0x52: {  	v6 =	vadd.s32 v9, v10;
	v5 =	vadd.s32 v8, v5;
	v7 =	vor.u32 v11, v12;
	(pc) =	sbr.rel @p0 .LBB2_2-.Ltmp0, $4  }
0x53: {  	v9 =	vshll.u32 v10, $0xF;
	v8 =	vshrl.u32 v10, $0x11;
	v7 =	vxor.u32 v7, v5  }
0x54: {  	v8 =	vor.u32 v8, v9;
	v9 =	vshrl.u32 v7, $0x1A;
	v10 =	vshll.u32 v7, $0x6  }
0x55: {  	v8 =	vxor.u32 v8, v6;
	v5 =	vadd.s32 v5, v7;
	v7 =	vor.u32 v9, v10  }
0x56: {  	s16 =	sadd.s32 $0x40, s16;
	v9 =	vshrl.u32 v8, $0x6;
	v10 =	vshll.u32 v8, $0x1A;
	v7 =	vxor.u32 v7, v5  }
0x57: {  	v6 =	vadd.s32 v6, v8;
	v46 =	vor.u32 v9, v10  }
0x58: {  	v8 =	vxor.u32 v46, v6  }
0x59: {  	v47 =	vshrl.u32 v8, $0x1A;
	v48 =	vshll.u32 v8, $0x6  }
0x5a: {  	v6 =	vadd.s32 v6, v8;
	v49 =	vor.u32 v47, v48  }
0x5b: {  	v8 =	vxor.u32 v49, v6  }
0x5c: {  	v8 =	vadd.s32 $0x1BD11BDC, v8  }
0x5d: {  	v6 =	vadd.s32 v8, v6;
	v50 =	vshrl.u32 v8, $0xF;
	v8 =	vshll.u32 v8, $0x11  }
0x5e: {  	v6 =	vadd.s32 $0x1, v6;
	v8 =	vor.u32 v50, v8  }
0x5f: {  	v8 =	vxor.u32 v8, v6  }
0x60: {  	v51 =	vshrl.u32 v8, $0x3;
	v52 =	vshll.u32 v8, $0x1D  }
0x61: {  	v6 =	vadd.s32 v6, v8;
	v53 =	vor.u32 v51, v52  }
0x62: {  	v8 =	vxor.u32 v53, v6  }
0x63: {  	v54 =	vshrl.u32 v8, $0x10;
	v55 =	vshll.u32 v8, $0x10  }
0x64: {  	v6 =	vadd.s32 v6, v8;
	v56 =	vor.u32 v54, v55  }
0x65: {  	v8 =	vxor.u32 v56, v6  }
0x66: {  	v57 =	vshrl.u32 v8, $0x8;
	v58 =	vshll.u32 v8, $0x18  }
0x67: {  	v6 =	vadd.s32 v6, v8;
	v59 =	vor.u32 v57, v58  }
0x68: {  	v7 =	vadd.s32 $0x4, v7;
	v8 =	vxor.u32 v59, v6  }
0x69: {  	v60 =	vshrl.u32 v7, $0xF;
	v8 =	vadd.s32 $0x2, v8  }
0x6a: {  	v6 =	vadd.s32 v8, v6;
	v61 =	vshrl.u32 v8, $0x13;
	v8 =	vshll.u32 v8, $0xD  }
0x6b: {  	v11 =	vshll.u32 v7, $0x11;
	v6 =	vadd.s32 $0x1BD11BDB, v6;
	v8 =	vor.u32 v61, v8  }
0x6c: {  	v5 =	vadd.s32 v5, v7;
	v62 =	vor.u32 v60, v11;
	v8 =	vxor.u32 v8, v6  }
0x6d: {  	v7 =	vxor.u32 v62, v5;
	v63 =	vshrl.u32 v8, $0x11;
	v12 =	vshll.u32 v8, $0xF  }
0x6e: {  	v13 =	vshrl.u32 v7, $0x3;
	v6 =	vadd.s32 v6, v8;
	v14 =	vor.u32 v63, v12  }
0x6f: {  	v15 =	vshll.u32 v7, $0x1D;
	v5 =	vadd.s32 v5, v7;
	v16 =	vxor.u32 v14, v6  }
0x70: {  	v17 =	vor.u32 v13, v15;
	v18 =	vshrl.u32 v16, $0x6;
	v19 =	vshll.u32 v16, $0x1A  }
0x71: {  	v8 =	vxor.u32 v17, v5;
	v6 =	vadd.s32 v6, v16;
	v20 =	vor.u32 v18, v19  }
0x72: {  	v21 =	vshrl.u32 v8, $0x10;
	v22 =	vshll.u32 v8, $0x10;
	v7 =	vxor.u32 v20, v6  }
0x73: {  	v5 =	vadd.s32 v5, v8;
	v23 =	vshrl.u32 v7, $0x1A;
	v24 =	vshll.u32 v7, $0x6  }
0x74: {  	v9 =	vor.u32 v21, v22;
	v6 =	vadd.s32 v6, v7;
	v25 =	vor.u32 v23, v24  }
0x75: {  	v26 =	vxor.u32 v9, v5;
	v7 =	vxor.u32 v25, v6  }
0x76: {  	v9 =	vshrl.u32 v26, $0x8;
	v27 =	vshll.u32 v26, $0x18;
	v7 =	vadd.s32 $0x4, v7  }
0x77: {  	v5 =	vadd.s32 v5, v26;
	v28 =	vshrl.u32 v7, $0xF;
	v29 =	vshll.u32 v7, $0x11  }
0x78: {  	v9 =	vor.u32 v9, v27;
	v6 =	vadd.s32 v6, v7;
	v30 =	vor.u32 v28, v29  }
0x79: {  	v31 =	vxor.u32 v9, v5;
	v7 =	vxor.u32 v30, v6  }
0x7a: {  	v8 =	vadd.s32 $0x1BD11BDF, v31;
	v32 =	vshrl.u32 v7, $0x3;
	v33 =	vshll.u32 v7, $0x1D  }
0x7b: {  	v5 =	vadd.s32 v8, v5;
	v6 =	vadd.s32 v6, v7;
	v34 =	vor.u32 v32, v33  }
0x7c: {  	v35 =	vshrl.u32 v8, $0x13;
	v8 =	vshll.u32 v8, $0xD;
	v7 =	vxor.u32 v34, v6  }
0x7d: {  	v5 =	vadd.s32 $0x1, v5;
	v36 =	vshrl.u32 v7, $0x10;
	v37 =	vshll.u32 v7, $0x10  }
0x7e: {  	v8 =	vor.u32 v35, v8;
	v6 =	vadd.s32 v6, v7;
	v38 =	vor.u32 v36, v37  }
0x7f: {  	v8 =	vxor.u32 v8, v5;
	v7 =	vxor.u32 v38, v6  }
0x80: {  	v39 =	vshrl.u32 v8, $0x11;
	v40 =	vshrl.u32 v7, $0x8;
	v41 =	vshll.u32 v7, $0x18  }
0x81: {  	v12 =	vshll.u32 v8, $0xF;
	v6 =	vadd.s32 v6, v7;
	v42 =	vor.u32 v40, v41  }
0x82: {  	v5 =	vadd.s32 v5, v8;
	v43 =	vor.u32 v39, v12;
	v7 =	vxor.u32 v42, v6  }
0x83: {  	v8 =	vxor.u32 v43, v5;
	v7 =	vadd.s32 $0x1BD11BDF, v7  }
0x84: {  	v6 =	vadd.s32 v7, v6;
	v44 =	vshrl.u32 v7, $0x13;
	v7 =	vshll.u32 v7, $0xD  }
0x85: {  	v45 =	vshrl.u32 v8, $0x6;
	v6 =	vadd.s32 $0x1, v6;
	v7 =	vor.u32 v44, v7  }
0x86: {  	v46 =	vshll.u32 v8, $0x1A;
	v5 =	vadd.s32 v5, v8;
	v7 =	vxor.u32 v7, v6  }
0x87: {  	v47 =	vor.u32 v45, v46;
	v48 =	vshrl.u32 v7, $0x11;
	v49 =	vshll.u32 v7, $0xF  }
0x88: {  	v8 =	vxor.u32 v47, v5;
	v6 =	vadd.s32 v6, v7;
	v50 =	vor.u32 v48, v49  }
0x89: {  	v51 =	vshrl.u32 v8, $0x1A;
	v52 =	vshll.u32 v8, $0x6;
	v7 =	vxor.u32 v50, v6  }
0x8a: {  	v5 =	vadd.s32 v5, v8;
	v53 =	vshrl.u32 v7, $0x6;
	v54 =	vshll.u32 v7, $0x1A  }
0x8b: {  	v9 =	vor.u32 v51, v52;
	v6 =	vadd.s32 v6, v7;
	v55 =	vor.u32 v53, v54  }
0x8c: {  	v56 =	vxor.u32 v9, v5;
	v7 =	vxor.u32 v55, v6  }
0x8d: {  	v5 =	vadd.s32 $0x1BD11BDB, v5;
	v57 =	vshrl.u32 v7, $0x1A;
	v58 =	vshll.u32 v7, $0x6  }
0x8e: {  	v8 =	vadd.s32 $0x5, v56;
	v6 =	vadd.s32 v6, v7;
	v59 =	vor.u32 v57, v58  }
0x8f: {  	v5 =	vxor.u32 v5, v8;
	v7 =	vxor.u32 v59, v6  }
0x90: {  	vm0 =	vgt.s32 v5, $0xFFFFFFFF;
	v60 =	vadd.s32 $0x1BD11BDB, v6;
	v61 =	vadd.s32 $0x5, v7  }
0x91: {  	s14 =	sshra.s32 s14, $0x2;
	v62 =	vsel vm0, v4, v3;
	v5 =	vxor.u32 v60, v61  }
0x92: {  	v63 =	vsel vm0, v2, v1;
	[tilespmem:s14+$0x280] =	vst v62;
	vm15 =	vgt.s32 v5, $0xFFFFFFFF  }
0x93: {  	s13 =	sshra.s32 s13, $0x2;
	[tilespmem:s14+$0x80] =	vst v63;
	v3 =	vsel vm15, v4, v3  }
0x94: {  	v1 =	vsel vm15, v2, v1;
	[tilespmem:s13+$0x280] =	vst v3  }
0x95: {  	[tilespmem:s13+$0x80] =	vst v1  }
0x96: {  	[hbm4b:s3+s10] =	stream.strided.scatter [tilespmem:s10], [sflag:$0x1], $0x200, s9, s10, $0x38;
	[tilespmem:$0x480] =	vst v63  }
0x97: {  	s12 =	sadd.s32 $0x1, s12;
	_ =	swait.ge [sflag:s8], $0x200  }
0x98: {  	p0 =	sne.s32 s12, s6;
	[sflag:s8] =	ssyncset.done $0x0  }
.Ltmp1:
0x99: {  	[sflag:s8] =	ssyncadd.s32 $0xFFFFFE00;
	(pc) =	sbr.rel @p0 .LBB2_1-.Ltmp1, $4  }
0x9a: {  	[hbm4b:s5+s10] =	stream.strided.scatter [tilespmem:s11], [sflag:$0x1], $0x200, s9, s10, $0x38;
	[tilespmem:$0x480] =	vst v63  }
0x9b: {  	_ =	swait.ge [sflag:s8], $0x200  }
0x9c: {  	[sflag:s8] =	ssyncset.done $0x0  }
0x9d: {  	[sflag:s8] =	ssyncadd.s32 $0xFFFFFE00  }
0x9e: {  	_ =	sfence.sel $0x180000  }
0x9f: {  	[bflag:$0x0] =	sbarrier.arrive $0xFFFF  }
0xa0: {  	p0 =	sne.s32 s1, $0x0;
	_ =	strace $0x90000047  }
0xa1: {  	s0 =	sadd.s32 @!p0 $0x100000, s0;
	[bflag:$0x2] =	sbarrier.arrive $0xFFFF  }
0xa2: {  	[sflag:s0] =	ssyncadd.tile.s32 @!p0 $0x1;
	_ =	shalt  }
.Lfunc_end2:
_tile_overlayer_lowered:
.L_overlay_start_2:
0xa3: {  	(tag) =	ssettag $0x2  }
0xa4: {  	s0 =	rddreg [dreg:$0x0];
	s2 =	stileid.u32  }
0xa5: {  	s1 =	rddreg [dreg:$0x1];
	p0 =	sne.s32 s2, $0x0  }
0xa6: {  	s3 =	rddreg [dreg:$0x2];
	[bflag:$0x3] =	sbarrier.arrive $0xFFFF;
	s2 =	simm.s32 @!p0 $0x1C01  }
0xa7: {  	[timem:s3], [sflag:s2] =	dma.local @!p0 [hbm:s0], s1  }
0xa8: {  	s0 =	simm.s32 @!p0 $0x1  }
0xa9: {  	_ =	swait.ge @!p0 [sflag:s0], s1  }
0xaa: {  	s1 =	ssub.s32 @!p0 $0x0, s1;
	[sflag:s0] =	ssyncset.done @!p0 $0x0  }
0xab: {  	[sflag:s0] =	ssyncadd.s32 @!p0 s1  }
0xac: {  	[bflag:$0x3] =	sbarrier.arrive $0xFFFF  }
0xad: {  	_ =	shalt  }

</sc_bundles>
